<compile_context>
chip_gen: v7x
topology: tpu7x:2x2x1
jax: 0.10.2.dev20260603
libtpu: 0.0.44.dev20260713+nightly
codegen_flags: <defaults>
</compile_context>

<pallas_src>
import functools

import jax
import jax.numpy as jnp
from jax import lax
from jax.experimental import pallas as pl
from jax.experimental.pallas import tpu as pltpu
from jax.experimental.pallas import tpu_sc as plsc

_B, _P, _K, _H = 16, 8, 2048, 128
_R = _B * _P
_RB = 8
_WORKERS = 16
_RPW = _R // _WORKERS


def _sample_body(x_ref, m_ref, g_ref, prob_ref, idx_ref):
    x = x_ref[...] + m_ref[...]
    mx = jnp.max(x, axis=1, keepdims=True)
    e = jnp.exp(x - mx)
    s = jnp.sum(e, axis=1, keepdims=True)
    probs = e / s
    val = jnp.log(probs + 1e-20) + g_ref[...]
    vmax = jnp.max(val, axis=1, keepdims=True)
    kio = lax.broadcasted_iota(jnp.int32, (_RB, _K), 1)
    sel = jnp.min(jnp.where(val == vmax, kio, _K), axis=1, keepdims=True)
    prob_ref[...] = jnp.sum(jnp.where(kio == sel, probs, 0.0), axis=1,
                            keepdims=True)
    row0 = pl.program_id(0) * _RB
    rows = row0 + lax.broadcasted_iota(jnp.int32, (_RB, 1), 0)
    idx_ref[...] = rows * _K + sel


_sample = pl.pallas_call(
    _sample_body,
    grid=(_R // _RB,),
    in_specs=[pl.BlockSpec((_RB, _K), lambda i: (i, 0))] * 3,
    out_specs=[pl.BlockSpec((_RB, 1), lambda i: (i, 0))] * 2,
    out_shape=[
        jax.ShapeDtypeStruct((_R, 1), jnp.float32),
        jax.ShapeDtypeStruct((_R, 1), jnp.int32),
    ],
)


@functools.cache
def _make_gather_sc():
    @functools.partial(
        pl.kernel,
        out_type=(
            jax.ShapeDtypeStruct((_R,), jnp.int32),
            jax.ShapeDtypeStruct((_R, _H), jnp.float32),
        ),
        mesh=plsc.VectorSubcoreMesh(core_axis_name="c", subcore_axis_name="s"),
        scratch_types=[
            pltpu.VMEM((_RPW,), jnp.int32),
            pltpu.VMEM((_RPW,), jnp.int32),
            pltpu.VMEM((_RPW, _H), jnp.float32),
            pltpu.SemaphoreType.DMA,
        ],
    )
    def _gather_sc(idx_hbm, edge_tab_hbm, emb_tab_hbm, edges_out, emb_out,
                   idx_v, edges_v, rows_v, sem):
        wid = lax.axis_index("s") * 2 + lax.axis_index("c")

        @pl.when(wid < _WORKERS)
        def _():
            base = wid * _RPW
            pltpu.sync_copy(idx_hbm.at[pl.ds(base, _RPW)], idx_v)
            emb_dma = pltpu.async_copy(emb_tab_hbm.at[idx_v], rows_v, sem)
            edge_dma = pltpu.async_copy(edge_tab_hbm.at[idx_v], edges_v, sem)
            emb_dma.wait()
            edge_dma.wait()
            pltpu.sync_copy(rows_v, emb_out.at[pl.ds(base, _RPW)])
            pltpu.sync_copy(edges_v, edges_out.at[pl.ds(base, _RPW)])

    return _gather_sc


def kernel(probs_logits, ninf_mask, embeddings, indices):
    g = jax.random.gumbel(jax.random.key(42), (_B, _P, _K), jnp.float32)
    prob, flat_idx = _sample(
        probs_logits.reshape(_R, _K),
        ninf_mask.reshape(_R, _K),
        g.reshape(_R, _K),
    )
    edges, emb = _make_gather_sc()(
        flat_idx.reshape(_R),
        indices.reshape(_R * _K),
        embeddings.reshape(_R * _K, _H),
    )
    return (
        edges.reshape(_B, _P),
        prob.reshape(_B, _P),
        emb.reshape(_B, _P, _H),
    )

# --- scband reference (transcript-rebuilt; emitter-appended) ---
"""Pipeline reference for scband-tspmodel-83434034692200 (READ-ONLY COPY).

The authoritative reference and input builder live on the scoring server;
editing this copy changes nothing except your own understanding.
"""

import jax, jax.numpy as jnp
import numpy as np

B, P, K, H = 16, 8, 2048, 128

def setup_inputs(seed: int = 0) -> dict:
    key = jax.random.key(seed)
    k1, k2, k3 = jax.random.split(key, 3)
    probs_logits = jax.random.normal(k1, (B, P, K), dtype=jnp.float32)
    ninf_mask = jnp.zeros((B, P, K), dtype=jnp.float32)
    embeddings = jax.random.normal(k2, (B, P, K, H), dtype=jnp.float32)
    indices = jax.random.randint(k3, (B, P, K), 0, 10000).astype(jnp.int64)
    return {"probs_logits": probs_logits, "ninf_mask": ninf_mask, "embeddings": embeddings, "indices": indices}

def reference(probs_logits, ninf_mask, embeddings, indices):
    # decoder output: masked softmax over candidate edges (MPEDecoder final step)
    logits = probs_logits + ninf_mask
    probs = jax.nn.softmax(logits, axis=-1)  # [B, P, K]
    # probs.reshape(B*P, -1).multinomial(1) -> categorical sample per (batch, pomo)
    skey = jax.random.key(42)
    selected = jax.random.categorical(skey, jnp.log(probs + 1e-20), axis=-1)  # [B, P]
    # prob = probs[BATCH_IDX, POMO_IDX, selected]
    prob = jnp.take_along_axis(probs, selected[:, :, None], axis=2)[:, :, 0]  # [B, P]
    # last_edge_embedding = gather(embeddings, 2, selected expanded)[:, :, 0, :]
    last_edge_embedding = jnp.take_along_axis(
        embeddings, selected[:, :, None, None], axis=2
    )[:, :, 0, :]  # [B, P, H]
    # selected_edges = gather(indices, 2, selected)[:, :, 0]
    selected_edges = jnp.take_along_axis(indices, selected[:, :, None], axis=2)[:, :, 0]  # [B, P]
    return (selected_edges, prob, last_edge_embedding)

if __name__ == "__main__":
    import jax
    _d = setup_inputs()
    print(jax.jit(kernel)(*tuple(_d.values())))

</pallas_src>

<mosaic_0001>
#map = affine_map<(d0, d1) -> (0)>
#map1 = affine_map<(d0, d1) -> (0, 0)>
module attributes {stable_mosaic.version = 14 : i64} {
  func.func @_gather_sc(%arg0: i32, %arg1: i32, %arg2: memref<128xi32, #tpu.memory_space<hbm>>, %arg3: memref<262144xi32, #tpu.memory_space<hbm>>, %arg4: memref<262144x128xf32, #tpu.memory_space<hbm>>, %arg5: memref<128xi32, #tpu.memory_space<hbm>>, %arg6: memref<128x128xf32, #tpu.memory_space<hbm>>, %arg7: memref<8xi32, #tpu.memory_space<vmem>>, %arg8: memref<8xi32, #tpu.memory_space<vmem>>, %arg9: memref<8x128xf32, #tpu.memory_space<vmem>>, %arg10: memref<!tpu.dma_semaphore, #tpu.memory_space<semaphore_mem>>) attributes {dimension_semantics = [#tpu.dimension_semantics<core_parallel>, #tpu.dimension_semantics<subcore_parallel>], iteration_bounds = array<i64: 2, 16>, scalar_prefetch = 0 : i64, scratch_operands = 4 : i64, tpu.core_type = #tpu.core_type<sc_vector_subcore>, window_params = [{transform_indices = #map}, {transform_indices = #map}, {transform_indices = #map1}, {transform_indices = #map}, {transform_indices = #map1}]} {
    %mul3A = arith.constant 2 : i32
    %mul3A_0 = arith.muli %arg1, %mul3A : i32
    %add3A = arith.addi %mul3A_0, %arg0 : i32
    %lt3A = arith.constant 16 : i32
    %lt3A_1 = arith.cmpi slt, %add3A, %lt3A : i32
    %convert_element_type3A = arith.extui %lt3A_1 : i1 to i32
    %cond3A = arith.constant 0 : i32
    %cond3A_2 = arith.cmpi ne, %convert_element_type3A, %cond3A : i32
    scf.if %cond3A_2 {
      %mul3A_3 = arith.constant 8 : i32
      %mul3A_4 = arith.muli %add3A, %mul3A_3 : i32
      "tpu.region"() ({
        %run_scoped3A = tpu.sem_alloc : memref<!tpu.dma_semaphore, #tpu.memory_space<semaphore_mem>>
        %dma_start3A_13 = tpu.memref_slice %arg2[%mul3A_4] : memref<128xi32, #tpu.memory_space<hbm>> -> memref<8xi32, #tpu.memory_space<hbm>>
        %dma_start3A_14 = tpu.memref_slice %arg2[%mul3A_4] : memref<128xi32, #tpu.memory_space<hbm>> -> memref<8xi32, #tpu.memory_space<hbm>>
        tpu.enqueue_dma source(%dma_start3A_14 : memref<8xi32, #tpu.memory_space<hbm>>) target(%arg7 : memref<8xi32, #tpu.memory_space<vmem>>) target_semaphore(%run_scoped3A : memref<!tpu.dma_semaphore, #tpu.memory_space<semaphore_mem>>)
        %dma_wait3A_15 = tpu.memref_slice %arg2[%mul3A_4] : memref<128xi32, #tpu.memory_space<hbm>> -> memref<8xi32, #tpu.memory_space<hbm>>
        %dma_wait3A_16 = tpu.memref_slice %arg2[%mul3A_4] : memref<128xi32, #tpu.memory_space<hbm>> -> memref<8xi32, #tpu.memory_space<hbm>>
        tpu.wait_dma2 semaphore(%run_scoped3A : memref<!tpu.dma_semaphore, #tpu.memory_space<semaphore_mem>>) src(%dma_wait3A_16 : memref<8xi32, #tpu.memory_space<hbm>>) dst(%arg7 : memref<8xi32, #tpu.memory_space<vmem>>)
        tpu.yield
      }) : () -> ()
      %dma_start3A = arith.constant 0 : i32
      %dma_start3A_5 = arith.constant 0 : i32
      %dma_start3A_6 = tpu.memref_slice %arg4[%dma_start3A, %dma_start3A_5] : memref<262144x128xf32, #tpu.memory_space<hbm>> -> memref<262144x128xf32, #tpu.memory_space<hbm>>
      tpu.enqueue_indirect_dma source(%dma_start3A_6 : memref<262144x128xf32, #tpu.memory_space<hbm>>) target(%arg9 : memref<8x128xf32, #tpu.memory_space<vmem>>) offsets(%arg7 : memref<8xi32, #tpu.memory_space<vmem>>) semaphore(%arg10 : memref<!tpu.dma_semaphore, #tpu.memory_space<semaphore_mem>>)
      %dma_start3A_7 = arith.constant 0 : i32
      %dma_start3A_8 = tpu.memref_slice %arg3[%dma_start3A_7] : memref<262144xi32, #tpu.memory_space<hbm>> -> memref<262144xi32, #tpu.memory_space<hbm>>
      tpu.enqueue_indirect_dma source(%dma_start3A_8 : memref<262144xi32, #tpu.memory_space<hbm>>) target(%arg8 : memref<8xi32, #tpu.memory_space<vmem>>) offsets(%arg7 : memref<8xi32, #tpu.memory_space<vmem>>) semaphore(%arg10 : memref<!tpu.dma_semaphore, #tpu.memory_space<semaphore_mem>>)
      %dma_wait3A = arith.constant 0 : i32
      %dma_wait3A_9 = arith.constant 0 : i32
      %dma_wait3A_10 = tpu.memref_slice %arg4[%dma_wait3A, %dma_wait3A_9] : memref<262144x128xf32, #tpu.memory_space<hbm>> -> memref<262144x128xf32, #tpu.memory_space<hbm>>
      tpu.wait_indirect_dma semaphore(%arg10 : memref<!tpu.dma_semaphore, #tpu.memory_space<semaphore_mem>>) src(%dma_wait3A_10 : memref<262144x128xf32, #tpu.memory_space<hbm>>) dst(%arg9 : memref<8x128xf32, #tpu.memory_space<vmem>>)
      %dma_wait3A_11 = arith.constant 0 : i32
      %dma_wait3A_12 = tpu.memref_slice %arg3[%dma_wait3A_11] : memref<262144xi32, #tpu.memory_space<hbm>> -> memref<262144xi32, #tpu.memory_space<hbm>>
      tpu.wait_indirect_dma semaphore(%arg10 : memref<!tpu.dma_semaphore, #tpu.memory_space<semaphore_mem>>) src(%dma_wait3A_12 : memref<262144xi32, #tpu.memory_space<hbm>>) dst(%arg8 : memref<8xi32, #tpu.memory_space<vmem>>)
      "tpu.region"() ({
        %run_scoped3A = tpu.sem_alloc : memref<!tpu.dma_semaphore, #tpu.memory_space<semaphore_mem>>
        %dma_start3A_13 = arith.constant 0 : i32
        %dma_start3A_14 = tpu.memref_slice %arg6[%mul3A_4, %dma_start3A_13] : memref<128x128xf32, #tpu.memory_space<hbm>> -> memref<8x128xf32, #tpu.memory_space<hbm>>
        %dma_start3A_15 = arith.constant 0 : i32
        %dma_start3A_16 = tpu.memref_slice %arg6[%mul3A_4, %dma_start3A_15] : memref<128x128xf32, #tpu.memory_space<hbm>> -> memref<8x128xf32, #tpu.memory_space<hbm>>
        tpu.enqueue_dma source(%arg9 : memref<8x128xf32, #tpu.memory_space<vmem>>) target(%dma_start3A_16 : memref<8x128xf32, #tpu.memory_space<hbm>>) target_semaphore(%run_scoped3A : memref<!tpu.dma_semaphore, #tpu.memory_space<semaphore_mem>>)
        %dma_wait3A_17 = arith.constant 0 : i32
        %dma_wait3A_18 = tpu.memref_slice %arg6[%mul3A_4, %dma_wait3A_17] : memref<128x128xf32, #tpu.memory_space<hbm>> -> memref<8x128xf32, #tpu.memory_space<hbm>>
        %dma_wait3A_19 = arith.constant 0 : i32
        %dma_wait3A_20 = tpu.memref_slice %arg6[%mul3A_4, %dma_wait3A_19] : memref<128x128xf32, #tpu.memory_space<hbm>> -> memref<8x128xf32, #tpu.memory_space<hbm>>
        tpu.wait_dma2 semaphore(%run_scoped3A : memref<!tpu.dma_semaphore, #tpu.memory_space<semaphore_mem>>) src(%arg9 : memref<8x128xf32, #tpu.memory_space<vmem>>) dst(%dma_wait3A_20 : memref<8x128xf32, #tpu.memory_space<hbm>>)
        tpu.yield
      }) : () -> ()
      "tpu.region"() ({
        %run_scoped3A = tpu.sem_alloc : memref<!tpu.dma_semaphore, #tpu.memory_space<semaphore_mem>>
        %dma_start3A_13 = tpu.memref_slice %arg5[%mul3A_4] : memref<128xi32, #tpu.memory_space<hbm>> -> memref<8xi32, #tpu.memory_space<hbm>>
        %dma_start3A_14 = tpu.memref_slice %arg5[%mul3A_4] : memref<128xi32, #tpu.memory_space<hbm>> -> memref<8xi32, #tpu.memory_space<hbm>>
        tpu.enqueue_dma source(%arg8 : memref<8xi32, #tpu.memory_space<vmem>>) target(%dma_start3A_14 : memref<8xi32, #tpu.memory_space<hbm>>) target_semaphore(%run_scoped3A : memref<!tpu.dma_semaphore, #tpu.memory_space<semaphore_mem>>)
        %dma_wait3A_15 = tpu.memref_slice %arg5[%mul3A_4] : memref<128xi32, #tpu.memory_space<hbm>> -> memref<8xi32, #tpu.memory_space<hbm>>
        %dma_wait3A_16 = tpu.memref_slice %arg5[%mul3A_4] : memref<128xi32, #tpu.memory_space<hbm>> -> memref<8xi32, #tpu.memory_space<hbm>>
        tpu.wait_dma2 semaphore(%run_scoped3A : memref<!tpu.dma_semaphore, #tpu.memory_space<semaphore_mem>>) src(%arg8 : memref<8xi32, #tpu.memory_space<vmem>>) dst(%dma_wait3A_16 : memref<8xi32, #tpu.memory_space<hbm>>)
        tpu.yield
      }) : () -> ()
    } else {
    }
    return
  }
}

module attributes {stable_mosaic.version = 14 : i64} {
  func.func @_sample_body(%arg0: i32, %arg1: memref<8x2048xf32, #tpu.memory_space<vmem>>, %arg2: memref<8x2048xf32, #tpu.memory_space<vmem>>, %arg3: memref<8x2048xf32, #tpu.memory_space<vmem>>, %arg4: memref<8x1xf32, #tpu.memory_space<vmem>>, %arg5: memref<8x1xi32, #tpu.memory_space<vmem>>) attributes {dimension_semantics = [#tpu.dimension_semantics<arbitrary>], iteration_bounds = array<i64: 16>, scalar_prefetch = 0 : i64, scratch_operands = 0 : i64, tpu.core_type = #tpu.core_type<tc>, window_params = [{transform_indices = @transform_0, window_bounds = array<i64: 8, 2048>}, {transform_indices = @transform_1, window_bounds = array<i64: 8, 2048>}, {transform_indices = @transform_2, window_bounds = array<i64: 8, 2048>}, {transform_indices = @transform_3, window_bounds = array<i64: 8, 1>}, {transform_indices = @transform_4, window_bounds = array<i64: 8, 1>}]} {
    %get3A = arith.constant 0 : index
    %get3A_0 = arith.constant 0 : index
    %get3A_1 = vector.load %arg1[%get3A, %get3A_0] : memref<8x2048xf32, #tpu.memory_space<vmem>>, vector<8x2048xf32>
    %get3A_2 = arith.constant 0 : index
    %get3A_3 = arith.constant 0 : index
    %get3A_4 = vector.load %arg2[%get3A_2, %get3A_3] : memref<8x2048xf32, #tpu.memory_space<vmem>>, vector<8x2048xf32>
    %add3A = arith.addf %get3A_1, %get3A_4 : vector<8x2048xf32>
    %reduce_max3A = arith.constant dense<0xFF800000> : vector<8xf32>
    %reduce_max3A_5 = vector.multi_reduction <maximumf>, %add3A, %reduce_max3A [1] : vector<8x2048xf32> to vector<8xf32>
    %broadcast_in_dim3A = vector.shape_cast %reduce_max3A_5 : vector<8xf32> to vector<8x1xf32>
    %sub3A = vector.broadcast %broadcast_in_dim3A : vector<8x1xf32> to vector<8x2048xf32>
    %sub3A_6 = arith.subf %add3A, %sub3A : vector<8x2048xf32>
    %exp3A = math.exp %sub3A_6 : vector<8x2048xf32>
    %reduce_sum3A = arith.constant dense<0.000000e+00> : vector<8xf32>
    %reduce_sum3A_7 = vector.multi_reduction <add>, %exp3A, %reduce_sum3A [1] : vector<8x2048xf32> to vector<8xf32>
    %broadcast_in_dim3A_8 = vector.shape_cast %reduce_sum3A_7 : vector<8xf32> to vector<8x1xf32>
    %div3A = vector.broadcast %broadcast_in_dim3A_8 : vector<8x1xf32> to vector<8x2048xf32>
    %div3A_9 = arith.divf %exp3A, %div3A : vector<8x2048xf32>
    %add3A_10 = arith.constant 9.99999968E-21 : f32
    %add3A_11 = vector.broadcast %add3A_10 : f32 to vector<8x2048xf32>
    %add3A_12 = arith.addf %div3A_9, %add3A_11 : vector<8x2048xf32>
    %log3A = math.log %add3A_12 : vector<8x2048xf32>
    %get3A_13 = arith.constant 0 : index
    %get3A_14 = arith.constant 0 : index
    %get3A_15 = vector.load %arg3[%get3A_13, %get3A_14] : memref<8x2048xf32, #tpu.memory_space<vmem>>, vector<8x2048xf32>
    %add3A_16 = arith.addf %log3A, %get3A_15 : vector<8x2048xf32>
    %reduce_max3A_17 = arith.constant dense<0xFF800000> : vector<8xf32>
    %reduce_max3A_18 = vector.multi_reduction <maximumf>, %add3A_16, %reduce_max3A_17 [1] : vector<8x2048xf32> to vector<8xf32>
    %broadcast_in_dim3A_19 = vector.shape_cast %reduce_max3A_18 : vector<8xf32> to vector<8x1xf32>
    %iota3A = tpu.iota {dimensions = array<i32: 1>} : vector<8x2048xi32>
    %eq3A = vector.broadcast %broadcast_in_dim3A_19 : vector<8x1xf32> to vector<8x2048xf32>
    %eq3A_20 = arith.cmpf oeq, %add3A_16, %eq3A : vector<8x2048xf32>
    %jit3A = arith.constant 2048 : i32
    %broadcast_in_dim3A_21 = vector.broadcast %jit3A : i32 to vector<8x2048xi32>
    %select_n3A = arith.select %eq3A_20, %iota3A, %broadcast_in_dim3A_21 : vector<8x2048xi1>, vector<8x2048xi32>
    %reduce_min3A = arith.constant dense<2147483647> : vector<8xi32>
    %reduce_min3A_22 = vector.multi_reduction <minsi>, %select_n3A, %reduce_min3A [1] : vector<8x2048xi32> to vector<8xi32>
    %broadcast_in_dim3A_23 = vector.shape_cast %reduce_min3A_22 : vector<8xi32> to vector<8x1xi32>
    %eq3A_24 = vector.broadcast %broadcast_in_dim3A_23 : vector<8x1xi32> to vector<8x2048xi32>
    %eq3A_25 = arith.cmpi eq, %iota3A, %eq3A_24 : vector<8x2048xi32>
    %jit3A_26 = arith.constant 0.000000e+00 : f32
    %broadcast_in_dim3A_27 = vector.broadcast %jit3A_26 : f32 to vector<8x2048xf32>
    %select_n3A_28 = arith.select %eq3A_25, %div3A_9, %broadcast_in_dim3A_27 : vector<8x2048xi1>, vector<8x2048xf32>
    %reduce_sum3A_29 = arith.constant dense<0.000000e+00> : vector<8xf32>
    %reduce_sum3A_30 = vector.multi_reduction <add>, %select_n3A_28, %reduce_sum3A_29 [1] : vector<8x2048xf32> to vector<8xf32>
    %broadcast_in_dim3A_31 = vector.shape_cast %reduce_sum3A_30 : vector<8xf32> to vector<8x1xf32>
    %swap3A = arith.constant 0 : index
    %swap3A_32 = arith.constant 0 : index
    %swap3A_33 = vector.load %arg4[%swap3A, %swap3A_32] : memref<8x1xf32, #tpu.memory_space<vmem>>, vector<8x1xf32>
    tpu.vector_store %arg4[%swap3A, %swap3A_32], %broadcast_in_dim3A_31 {strides = array<i32>} : memref<8x1xf32, #tpu.memory_space<vmem>>, vector<8x1xf32>,
    %mul3A = arith.constant 8 : i32
    %mul3A_34 = arith.muli %arg0, %mul3A : i32
    %iota3A_35 = tpu.iota {dimensions = array<i32: 0>} : vector<8x1xi32>
    %add3A_36 = vector.broadcast %mul3A_34 : i32 to vector<8x1xi32>
    %add3A_37 = arith.addi %add3A_36, %iota3A_35 : vector<8x1xi32>
    %mul3A_38 = arith.constant 2048 : i32
    %mul3A_39 = vector.broadcast %mul3A_38 : i32 to vector<8x1xi32>
    %mul3A_40 = arith.muli %add3A_37, %mul3A_39 : vector<8x1xi32>
    %add3A_41 = arith.addi %mul3A_40, %broadcast_in_dim3A_23 : vector<8x1xi32>
    %swap3A_42 = arith.constant 0 : index
    %swap3A_43 = arith.constant 0 : index
    %swap3A_44 = vector.load %arg5[%swap3A_42, %swap3A_43] : memref<8x1xi32, #tpu.memory_space<vmem>>, vector<8x1xi32>
    tpu.vector_store %arg5[%swap3A_42, %swap3A_43], %add3A_41 {strides = array<i32>} : memref<8x1xi32, #tpu.memory_space<vmem>>, vector<8x1xi32>,
    return
  }
  func.func @transform_0(%arg0: i32) -> (i32, i32) {
    %c0_i32 = arith.constant 0 : i32
    %c0_i32_0 = arith.constant 0 : i32
    return %arg0, %c0_i32 : i32, i32
  }
  func.func @transform_1(%arg0: i32) -> (i32, i32) {
    %c0_i32 = arith.constant 0 : i32
    %c0_i32_0 = arith.constant 0 : i32
    return %arg0, %c0_i32 : i32, i32
  }
  func.func @transform_2(%arg0: i32) -> (i32, i32) {
    %c0_i32 = arith.constant 0 : i32
    %c0_i32_0 = arith.constant 0 : i32
    return %arg0, %c0_i32 : i32, i32
  }
  func.func @transform_3(%arg0: i32) -> (i32, i32) {
    %c0_i32 = arith.constant 0 : i32
    %c0_i32_0 = arith.constant 0 : i32
    return %arg0, %c0_i32 : i32, i32
  }
  func.func @transform_4(%arg0: i32) -> (i32, i32) {
    %c0_i32 = arith.constant 0 : i32
    %c0_i32_0 = arith.constant 0 : i32
    return %arg0, %c0_i32 : i32, i32
  }
}

</mosaic_0001>

<sc_bundles>
// kernel: kernel.4.cloned.1.call-start
scs
__scs_entry_jumppad:
0x0: {  	(pc) =	sbr.rel $0x88, $3  }
0x1: {  	(tag) =	ssettag $0x0;
	lr =	simm.s32 $0x1  }
0x2: {  	[smem:$0x3F9D] =	sst lr;
	_ =	strace $0xD0000000  }
0x3: {  	_ = 	snop  }
0x4: {  	_ = 	snop  }
0x5: {  	_ = 	snop  }
0x6: {  	_ = 	snop  }
0x7: {  	_ = 	snop  }
__scs_overlays_trampoline_lowered:
0x8: {  	[smem:$0x3FAC] =	sst s0  }
0x9: {  	[smem:$0x3FAD] =	sst s1  }
0xa: {  	[smem:$0x3FAE] =	sst s2  }
0xb: {  	[smem:$0x3FAF] =	sst s3  }
0xc: {  	[smem:$0x3FB0] =	sst s4  }
0xd: {  	[smem:$0x3FB1] =	sst s5  }
0xe: {  	[smem:$0x3FB2] =	sst s6  }
0xf: {  	[smem:$0x3FB3] =	sst s7  }
0x10: {  	[smem:$0x3FB4] =	sst s8  }
0x11: {  	[smem:$0x3FB5] =	sst s9;
	s0 =	simm.s32 @!p0 $0x0  }
0x12: {  	s1 =	sld [smem:$0x3F9B];
	s0 =	simm.s32 @p0 $0x1  }
0x13: {  	[smem:$0x3FB6] =	sst s0;
	s0 =	simm.s32 @!p1 $0x0  }
0x14: {  	s2 =	sld [smem:$0x3F9A];
	s0 =	simm.s32 @p1 $0x1  }
0x15: {  	[smem:$0x3FB7] =	sst s0;
	s0 =	simm.s32 @!p2 $0x0  }
0x16: {  	s3 =	sld [smem:$0x3FDB];
	s0 =	simm.s32 @p2 $0x1  }
0x17: {  	s4 =	simm.s32 $0x1BF5;
	[smem:$0x3FB9] =	sst s0  }
0x18: {  	s0 =	sld [smem:$0x3F9C];
	_ =	swait.ge [sflag:s4], $0x0  }
0x19: {  	s7 =	sld [smem:$0x3F9D]  }
0x1a: {  	s8 =	sadd.s32 $0xFFFFE003, lr  }
0x1b: {  	s9 =	sadd.s32 $0xFFFFFEF7, lr;
	s5 =	simm.s32 $0xFFFFFFFF;
	p2 =	slt.u32 s8, $0xFFFFF086  }
0x1c: {  	p1 =	slt.u32 s9, $0xF7A;
	s5 =	simm.s32 @!p2 $0x0  }
0x1d: {  	s5 =	simm.s32 @p1 $0x1;
	p0 =	seq.s32 s7, s2  }
0x1e: {  	s7 =	smul.u32 @!p0 $0xF7A, s2;
	p2 =	seq.s32 @!p0 s5, $0x0  }
0x1f: {  	s9 =	smul.u32 $0xF7A, s1;
	s8 =	simm.s32 @!p0 $0x1BF5;
	p2 =	por !p2, p0  }
0x20: {  	[sflag:s8] =	ssyncset.s32 @!p0 $0xFFFFF086;
	s6 =	sadd.s32 @!p0 s3, s7;
	s7 =	simm.s32 @!p0 $0x108  }
0x21: {  	s3 =	sadd.s32 s3, s9;
	s6 =	sadd.s32 @!p0 $0x88, s6;
	s7 =	simm.s32 @p2 $0x1082  }
0x22: {  	[simem:s7], [sflag:s8] =	dma.local @!p0 [hbm:s6], $0xF7A  }
0x23: {  	s9 =	sor.u32 $0xD0000000, s2;
	s6 =	simm.s32 $0x108;
	_ =	swait.ge @!p0 [sflag:s8], $0x0  }
0x24: {  	s3 =	sadd.s32 $0x88, s3;
	s6 =	simm.s32 @!p1 $0x1082;
	[sflag:s4] =	ssyncset.s32 $0xFFFFF086  }
0x25: {  	[simem:s6], [sflag:s4] =	dma.local [hbm:s3], $0xF7A  }
0x26: {  	[smem:$0x3F9D] =	sst s1;
	(tag) =	ssettag s2;
	_ =	strace s9  }
0x27: {  	s1 =	sld [smem:$0x3FAD]  }
0x28: {  	s2 =	sld [smem:$0x3FAE]  }
0x29: {  	s4 =	sld [smem:$0x3FB0]  }
0x2a: {  	p0 =	seq.s32 s5, $0x0;
	s5 =	sld [smem:$0x3FB1]  }
0x2b: {  	s6 =	sld [smem:$0x3FB2]  }
0x2c: {  	s7 =	sld [smem:$0x3FB3]  }
0x2d: {  	s3 =	simm.s32 $0x108;
	s8 =	sld [smem:$0x3FB4]  }
0x2e: {  	s3 =	simm.s32 @!p0 $0x1082;
	s9 =	sld [smem:$0x3FB5]  }
0x2f: {  	lr =	sadd.s32 s0, s3;
	s0 =	sld [smem:$0x3FAC]  }
0x30: {  	s3 =	sld [smem:$0x3FAF]  }
0x31: {  	[smem:$0x3FB8] =	sst s10  }
0x32: {  	s10 =	sld [smem:$0x3FB6];
	_ =	sdelay $0x3  }
0x33: {  	p0 =	seq.s32 s10, $0x1;
	s10 =	sld [smem:$0x3FB8];
	_ =	sdelay $0x3  }
0x34: {  	[smem:$0x3FB8] =	sst s10  }
0x35: {  	s10 =	sld [smem:$0x3FB7];
	_ =	sdelay $0x3  }
0x36: {  	p1 =	seq.s32 s10, $0x1;
	s10 =	sld [smem:$0x3FB8];
	_ =	sdelay $0x3  }
0x37: {  	[smem:$0x3FB8] =	sst s10  }
0x38: {  	s10 =	sld [smem:$0x3FB9]  }
0x39: {  	_ = 	snop;
	(pc) =	sbr.ind lr, $3  }
0x3a: {  	_ = 	snop  }
0x3b: {  	_ = 	snop  }
0x3c: {  	p2 =	seq.s32 s10, $0x1;
	s10 =	sld [smem:$0x3FB8]  }
0x3d: {  	_ =	shalt  }
0x3e: {  	_ =	shalt  }
0x3f: {  	_ =	shalt  }
0x40: {  	_ =	shalt  }
0x41: {  	_ =	shalt  }
0x42: {  	_ =	shalt  }
0x43: {  	_ =	shalt  }
0x44: {  	_ =	shalt  }
0x45: {  	_ =	shalt  }
0x46: {  	_ =	shalt  }
0x47: {  	_ =	shalt  }
0x48: {  	_ =	shalt  }
0x49: {  	_ =	shalt  }
0x4a: {  	_ =	shalt  }
0x4b: {  	_ =	shalt  }
0x4c: {  	_ =	shalt  }
0x4d: {  	_ =	shalt  }
0x4e: {  	_ =	shalt  }
0x4f: {  	_ =	shalt  }
0x50: {  	_ =	shalt  }
0x51: {  	_ =	shalt  }
0x52: {  	_ =	shalt  }
0x53: {  	_ =	shalt  }
0x54: {  	_ =	shalt  }
0x55: {  	_ =	shalt  }
0x56: {  	_ =	shalt  }
0x57: {  	_ =	shalt  }
0x58: {  	_ =	shalt  }
0x59: {  	_ =	shalt  }
0x5a: {  	_ =	shalt  }
0x5b: {  	_ =	shalt  }
0x5c: {  	_ =	shalt  }
0x5d: {  	_ =	shalt  }
0x5e: {  	_ =	shalt  }
0x5f: {  	_ =	shalt  }
0x60: {  	_ =	shalt  }
0x61: {  	_ =	shalt  }
0x62: {  	_ =	shalt  }
0x63: {  	_ =	shalt  }
0x64: {  	_ =	shalt  }
0x65: {  	_ =	shalt  }
0x66: {  	_ =	shalt  }
0x67: {  	_ =	shalt  }
0x68: {  	_ =	shalt  }
0x69: {  	_ =	shalt  }
0x6a: {  	_ =	shalt  }
0x6b: {  	_ =	shalt  }
0x6c: {  	_ =	shalt  }
0x6d: {  	_ =	shalt  }
0x6e: {  	_ =	shalt  }
0x6f: {  	_ =	shalt  }
0x70: {  	_ =	shalt  }
0x71: {  	_ =	shalt  }
0x72: {  	_ =	shalt  }
0x73: {  	_ =	shalt  }
0x74: {  	_ =	shalt  }
0x75: {  	_ =	shalt  }
0x76: {  	_ =	shalt  }
0x77: {  	_ =	shalt  }
0x78: {  	_ =	shalt  }
0x79: {  	_ =	shalt  }
0x7a: {  	_ =	shalt  }
0x7b: {  	_ =	shalt  }
0x7c: {  	_ =	shalt  }
0x7d: {  	_ =	shalt  }
0x7e: {  	_ =	shalt  }
0x7f: {  	_ =	shalt  }
0x80: {  	_ =	shalt  }
0x81: {  	_ =	shalt  }
0x82: {  	_ =	shalt  }
0x83: {  	_ =	shalt  }
0x84: {  	_ =	shalt  }
0x85: {  	_ =	shalt  }
0x86: {  	_ =	shalt  }
0x87: {  	_ =	shalt  }
.Lfunc_end0:
.L_simem_size_0:
called_computation_lowered:
.L_overlay_start_0:
0x88: {  	s2 =	sld [smem:$0x3FD9]  }
0x89: {  	s3 =	sld [smem:$0x3FFE];
	_ =	sdelay $0x1  }
0x8a: {  	s1 =	srdreg.scid  }
0x8b: {  	s0 =	sand.u32 $0x1, s1  }
0x8c: {  	s14 =	sshll.u32 s0, $0xA;
	s2 =	sadd.s32 s3, s2  }
0x8d: {  	s2 =	sadd.s32 s2, s14  }
0x8e: {  	[smem:$0x3FC4] =	sst s2  }
0x8f: {  	_ = 	snop  }
0x90: {  	s2 =	sld [smem:$0x3FD0];
	_ =	sdelay $0x2  }
0x91: {  	s4 =	simm.s32 $0xA;
	s5 =	simm.s32 $0x10;
	s15 =	sld [smem:$0x3FC7]  }
0x92: {  	[smem:s5], [sflag:s4] =	dma.local [hbm:s2], $0x1  }
0x93: {  	_ =	swait.eq [sflag:s4], $0x1  }
0x94: {  	[sflag:s4] =	ssyncset.done $0x0  }
0x95: {  	s16 =	sld [smem:$0x10];
	[sflag:s4] =	ssyncadd.s32 $0xFFFFFFFF  }
0x96: {  	s17 =	sld [smem:$0x12];
	(tm) =	ssettm $0x1  }
0x97: {  	s18 =	sld [smem:$0x3FFB];
	_ =	sdelay $0x3  }
0x98: {  	_ =	strace s18  }
0x99: {  	s5 =	sld [smem:$0x3FFC];
	_ =	sdelay $0x3  }
0x9a: {  	_ =	strace s5  }
0x9b: {  	s5 =	sld [smem:$0x3FFD];
	_ =	sdelay $0x3  }
0x9c: {  	_ =	strace s5  }
0x9d: {  	_ =	strace $0x8FFFFFFF  }
0x9e: {  	s19 =	sld [smem:$0x3FDB];
	_ =	sdelay $0x1  }
0x9f: {  	s6 =	simm.s32 $_scs_section_size  }
0xa0: {  	s7 =	simm.s32 $_size__tile_overlayer_lowered;
	s8 =	simm.s32 $_tile_overlayer_lowered  }
0xa1: {  	s22 =	simm.s32 $0x1BFF;
	s21 =	sshll.u32 s8, $0x1;
	s5 =	sadd.s32 s6, s19  }
0xa2: {  	s9 =	simm.s32 $0x0;
	s20 =	sshll.u32 s7, $0x1;
	s7 =	sadd.s32 s21, s5  }
0xa3: {  	[timem:s9], [sflag:s22] =	dma.local [hbm:s7], s20  }
0xa4: {  	_ =	swait.ge [sflag:s22], s20  }
0xa5: {  	s6 =	ssub.s32 $0x0, s20;
	[sflag:s22] =	ssyncset.done $0x0  }
0xa6: {  	[sflag:s22] =	ssyncadd.s32 s6;
	_ =	sdelay $0x1  }
0xa7: {  	s23 =	simm.s32 $0x1B8B  }
0xa8: {  	_ =	swait.ge [sflag:s23], $0x1  }
0xa9: {  	[sflag:s23] =	ssyncset.done $0x0  }
0xaa: {  	s25 =	simm.s32 $0x1B8E;
	s24 =	sld [smem:$0x3FFE];
	[sflag:s23] =	ssyncadd.s32 $0xFFFFFFFF  }
0xab: {  	s26 =	simm.s32 $execute0_lowered;
	[smem:$0x3FD2] =	sst s25  }
0xac: {  	s7 =	sshll.u32 s26, $0x1;
	_ =	strace $0x80000046;
	[dreg:$0x1] =	wrdreg $0xFFFFFFFF  }
0xad: {  	s28 =	simm.s32 $_size_execute0_lowered;
	s5 =	sadd.s32 s5, s7;
	[dreg:$0x0] =	wrdreg $0x0  }
0xae: {  	s7 =	sshll.u32 s28, $0x1;
	[dreg:$0x2] =	wrdreg s5  }
0xaf: {  	[dreg:$0x3] =	wrdreg s7  }
0xb0: {  	[dreg:$0x4] =	wrdreg $0xC0  }
0xb1: {  	_ =	task [dreg:s9], $0x5FFFF  }
0xb2: {  	[dreg:$0x1] =	wrdreg $0xFFFFFFFF  }
0xb3: {  	[dreg:$0x0] =	wrdreg $0x60  }
0xb4: {  	[dreg:$0x2] =	wrdreg s16  }
0xb5: {  	[dreg:$0x3] =	wrdreg s24  }
0xb6: {  	[dreg:$0x4] =	wrdreg s15  }
0xb7: {  	[dreg:$0x5] =	wrdreg s17  }
0xb8: {  	[dreg:$0x6] =	wrdreg $0x9  }
0xb9: {  	_ =	task.clear_ibuf [dreg:s9], $0x7FFFF;
	_ =	strace $0x90000046  }
0xba: {  	s29 =	simm.s32 $0x9;
	_ =	strace $0x80000048  }
0xbb: {  	_ =	swait.ge [sflag:s29], $0x1  }
0xbc: {  	[sflag:s29] =	ssyncadd.s32 $0xFFFFFFFF  }
0xbd: {  	_ =	strace $0x90000048  }
0xbe: {  	_ =	sfence  }
0xbf: {  	s30 =	sld [smem:$0x0];
	_ =	sdelay $0x2  }
0xc0: {  	s31 =	sshll.u32 s1, $0xD;
	s1 =	sshrl.u32 s1, $0x2  }
0xc1: {  	s3 =	sand.u32 $0x4000, s31;
	s1 =	sadd.s32 s1, s30  }
0xc2: {  	s0 =	sor.u32 s3, s0;
	s1 =	sshll.u32 s1, $0x11  }
0xc3: {  	s0 =	sor.u32 s1, s0  }
0xc4: {  	s0 =	sadd.s32 $0x8F2B, s0  }
0xc5: {  	[sflag:s0] =	ssyncadd.remote.s32 $0x1  }
0xc6: {  	_ =	sfence.sel $0xFFFF  }
0xc7: {  	[dreg:$0x0] =	wrdreg $0xFFFFFFFF;
	(pc) =	sbr.abs _section_cstart, $3  }
0xc8: {  	[dreg:$0x1] =	wrdreg $0xFFFFFFFF  }
0xc9: {  	_ =	task.clear_ibuf [dreg:s9], $0x2FFFF;
	_ =	strace $0x9FFFFFFF  }
0xca: {  	(tm) =	ssettm $0x7FFFFFFF  }
0xcb: {  	_ =	shalt  }
tec
execute0_lowered:
.L_overlay_start_1:
0x0: {  	(tag) =	ssettag $0x1  }
0x1: {  	s1 =	stileid.u32  }
0x2: {  	s4 =	rddreg [dreg:$0x0];
	p0 =	sgt.u32 s1, $0x7  }
.Ltmp0:
0x3: {  	s12 =	rddreg [dreg:$0x1];
	(pc) =	sbr.rel @p0 .LBB2_4-.Ltmp0, $4  }
0x4: {  	s2 =	rddreg [dreg:$0x2]  }
0x5: {  	s11 =	rddreg [dreg:$0x3];
	s3 =	simm.s32 $0x0  }
0x6: {  	[smem:$0x7FF] =	sst s3  }
0x7: {  	s0 =	rddreg [dreg:$0x4];
	_ =	strace $0x80000047  }
0x8: {  	s5 =	srdreg.scid  }
0x9: {  	s29 =	sshll.u32 s1, $0x1;
	s13 =	sand.u32 $0x1, s5  }
0xa: {  	s14 =	sor.u32 s13, s29  }
0xb: {  	s5 =	sadd.s32 s4, s14;
	s4 =	simm.s32 $0x2  }
0xc: {  	[tilespmem:s3], [sflag:$0x2] =	stream.linear.gather [hbm4b:s5+s3], $0x8, $0x38;
	[tilespmem:$0x500] =	vst v63  }
0xd: {  	_ =	swait.ge [sflag:s4], $0x8  }
0xe: {  	[sflag:s4] =	ssyncset.done $0x0  }
0xf: {  	s6 =	simm.s32 $0x8;
	s7 =	simm.s32 $0x100;
	[sflag:s4] =	ssyncadd.s32 $0xFFFFFFF8  }
0x10: {  	[tilespmem:s7], [sflag:$0x1] =	stream.indirect.gather [hbm4b:s2+s6], $0x80, s3, s6, $0xb8;
	[tilespmem:$0x500] =	vst v63  }
0x11: {  	s8 =	sadd.s32 $0x600, s12;
	s9 =	simm.s32 $0x80;
	s10 =	simm.s32 $0x1  }
0x12: {  	[tilespmem:s9], [sflag:$0x1] =	stream.indirect.gather [hbm4b:s8+s6], $0x1, s3, s6, $0xb8;
	[tilespmem:$0x500] =	vst v63  }
0x13: {  	_ =	swait.ge [sflag:s10], $0x400  }
0x14: {  	[sflag:s10] =	ssyncset.done $0x0  }
0x15: {  	s13 =	ssub.s32 $0x2, s13;
	[sflag:s10] =	ssyncadd.s32 $0xFFFFFC00  }
0x16: {  	s30 =	sshrl.u32 s13, $0x1;
	_ =	swait.ge [sflag:s10], $0x8  }
0x17: {  	s15 =	sshll.u32 s14, $0x7;
	s13 =	ssub.s32 s13, s30;
	[sflag:s10] =	ssyncset.done $0x0  }
0x18: {  	s11 =	sadd.s32 s11, s15;
	s13 =	smax.u32 s13, $0x1;
	[sflag:s10] =	ssyncadd.s32 $0xFFFFFFF8  }
0x19: {  	[hbm4b:s11+s3] =	stream.linear.scatter [tilespmem:s7], [sflag:$0x2], $0x400, $0x38;
	[tilespmem:$0x500] =	vst v63  }
0x1a: {  	p0 =	sne.s32 s13, $0x1;
	_ =	swait.ge [sflag:s4], $0x400  }
.Ltmp1:
0x1b: {  	s31 =	sadd.s32 s14, s12;
	[sflag:s4] =	ssyncset.done $0x0;
	(pc) =	sbr.rel @!p0 .LBB2_3-.Ltmp1, $4  }
0x1c: {  	s12 =	sadd.s32 $0x8600, s31;
	[sflag:s4] =	ssyncadd.s32 $0xFFFFFC00  }
0x1d: {  	[hbm4b:s12+s3] =	stream.linear.scatter [tilespmem:s9], [sflag:$0x2], $0x8, $0x38;
	[tilespmem:$0x500] =	vst v63  }
0x1e: {  	_ =	swait.ge [sflag:s4], $0x8  }
0x1f: {  	s13 =	sadd.s32 $0xFFFFFFFF, s13;
	[sflag:s4] =	ssyncset.done $0x0  }
.LBB2_2:
0x20: {  	p0 =	sne.s32 s13, $0x1;
	s13 =	sadd.s32 $0xFFFFFFFF, s13;
	[sflag:s4] =	ssyncadd.s32 $0xFFFFFFF8  }
0x21: {  	[tilespmem:s3], [sflag:$0x2] =	stream.linear.gather [hbm4b:s5+s3], $0x8, $0x38;
	[tilespmem:$0x500] =	vst v63  }
0x22: {  	_ =	swait.ge [sflag:s4], $0x8  }
0x23: {  	[sflag:s4] =	ssyncset.done $0x0  }
0x24: {  	[sflag:s4] =	ssyncadd.s32 $0xFFFFFFF8  }
0x25: {  	[tilespmem:s7], [sflag:$0x1] =	stream.indirect.gather [hbm4b:s2+s6], $0x80, s3, s6, $0xb8;
	[tilespmem:$0x500] =	vst v63  }
0x26: {  	_ = 	snop  }
0x27: {  	[tilespmem:s9], [sflag:$0x1] =	stream.indirect.gather [hbm4b:s8+s6], $0x1, s3, s6, $0xb8;
	[tilespmem:$0x500] =	vst v63  }
0x28: {  	_ =	swait.ge [sflag:s10], $0x400  }
0x29: {  	[sflag:s10] =	ssyncset.done $0x0  }
0x2a: {  	[sflag:s10] =	ssyncadd.s32 $0xFFFFFC00  }
0x2b: {  	_ =	swait.ge [sflag:s10], $0x8  }
0x2c: {  	[sflag:s10] =	ssyncset.done $0x0  }
0x2d: {  	[sflag:s10] =	ssyncadd.s32 $0xFFFFFFF8  }
0x2e: {  	[hbm4b:s11+s3] =	stream.linear.scatter [tilespmem:s7], [sflag:$0x2], $0x400, $0x38;
	[tilespmem:$0x500] =	vst v63  }
0x2f: {  	_ =	swait.ge [sflag:s4], $0x400  }
.Ltmp2:
0x30: {  	[sflag:s4] =	ssyncset.done $0x0;
	(pc) =	sbr.rel @p0 .LBB2_2-.Ltmp2, $4  }
0x31: {  	[sflag:s4] =	ssyncadd.s32 $0xFFFFFC00  }
0x32: {  	[hbm4b:s12+s3] =	stream.linear.scatter [tilespmem:s9], [sflag:$0x2], $0x8, $0x38;
	[tilespmem:$0x500] =	vst v63  }
0x33: {  	_ =	swait.ge [sflag:s4], $0x8  }
0x34: {  	[sflag:s4] =	ssyncset.done $0x0  }
.LBB2_3:
0x35: {  	[sflag:s4] =	ssyncadd.s32 $0xFFFFFFF8  }
.LBB2_4:
0x36: {  	_ =	sfence.sel $0x180000  }
0x37: {  	[bflag:$0x0] =	sbarrier.arrive $0xFFFF  }
0x38: {  	p0 =	sne.s32 s1, $0x0;
	_ =	strace $0x90000047  }
0x39: {  	s0 =	sadd.s32 @!p0 $0x100000, s0;
	[bflag:$0x2] =	sbarrier.arrive $0xFFFF  }
0x3a: {  	[sflag:s0] =	ssyncadd.tile.s32 @!p0 $0x1;
	_ =	shalt  }
.Lfunc_end2:
_tile_overlayer_lowered:
.L_overlay_start_2:
0x3b: {  	(tag) =	ssettag $0x2  }
0x3c: {  	s0 =	rddreg [dreg:$0x0];
	s2 =	stileid.u32  }
0x3d: {  	s1 =	rddreg [dreg:$0x1];
	p0 =	sne.s32 s2, $0x0  }
0x3e: {  	s3 =	rddreg [dreg:$0x2];
	[bflag:$0x3] =	sbarrier.arrive $0xFFFF;
	s2 =	simm.s32 @!p0 $0x1C02  }
0x3f: {  	[timem:s3], [sflag:s2] =	dma.local @!p0 [hbm:s0], s1  }
0x40: {  	s0 =	simm.s32 @!p0 $0x2  }
0x41: {  	_ =	swait.ge @!p0 [sflag:s0], s1  }
0x42: {  	s1 =	ssub.s32 @!p0 $0x0, s1;
	[sflag:s0] =	ssyncset.done @!p0 $0x0  }
0x43: {  	[sflag:s0] =	ssyncadd.s32 @!p0 s1  }
0x44: {  	[bflag:$0x3] =	sbarrier.arrive $0xFFFF  }
0x45: {  	_ =	shalt  }

</sc_bundles>
